<compile_context>
chip_gen: v7x
topology: tpu7x:2x2x1
jax: 0.10.2.dev20260603
libtpu: 0.0.44.dev20260713+nightly
codegen_flags: <defaults>
</compile_context>

<pallas_src>
import jax
import jax.numpy as jnp
from jax import lax
from jax.experimental import pallas as pl
from jax.experimental.pallas import tpu as pltpu
from jax.experimental.pallas import tpu_sc as plsc

_L = 16


def _gather_body(rt_hbm, ft_hbm, pos_hbm, ridx_v, fidx_v, rank_rows,
                 file_rows, sem):
    S, D = 64, 128
    wid = lax.axis_index("s") * 2 + lax.axis_index("c")

    @pl.when(wid == 0)
    def _():
        iota = lax.iota(jnp.int32, _L)
        for j in range(S // _L):
            v = iota + j * _L
            ridx_v[pl.ds(j * _L, _L)] = jnp.right_shift(v, 3)
            fidx_v[pl.ds(j * _L, _L)] = jnp.bitwise_and(v, 7)

        h_r = pltpu.async_copy(rt_hbm.at[ridx_v], rank_rows, sem=sem)
        h_f = pltpu.async_copy(ft_hbm.at[fidx_v], file_rows, sem=sem)
        h_r.wait()
        h_f.wait()
        pltpu.sync_copy(rank_rows, pos_hbm.at[:, pl.ds(0, D // 2)])
        pltpu.sync_copy(file_rows, pos_hbm.at[:, pl.ds(D // 2, D // 2)])


def _add_body(x_ref, pos_ref, o_ref):
    o_ref[...] = x_ref[...] + pos_ref[...][None]


def kernel(x, rank_table, file_table):
    B, S, D = x.shape
    gather = pl.kernel(
        _gather_body,
        out_type=jax.ShapeDtypeStruct((S, D), jnp.float32),
        mesh=plsc.VectorSubcoreMesh(core_axis_name="c", subcore_axis_name="s", num_cores=1, num_subcores=1),
        compiler_params=pltpu.CompilerParams(use_tc_tiling_on_sc=False),
        scratch_types=[
            pltpu.VMEM((S,), jnp.int32),
            pltpu.VMEM((S,), jnp.int32),
            pltpu.VMEM((S, D // 2), jnp.float32),
            pltpu.VMEM((S, D // 2), jnp.float32),
            pltpu.SemaphoreType.DMA,
        ],
    )
    pos = gather(rank_table, file_table)

    BB = 256
    return pl.pallas_call(
        _add_body,
        grid=(B // BB,),
        compiler_params=pltpu.CompilerParams(
            dimension_semantics=("parallel",)),
        in_specs=[
            pl.BlockSpec((BB, S, D), lambda i: (i, 0, 0)),
            pl.BlockSpec((S, D), lambda i: (0, 0)),
        ],
        out_specs=pl.BlockSpec((BB, S, D), lambda i: (i, 0, 0)),
        out_shape=jax.ShapeDtypeStruct((B, S, D), x.dtype),
    )(x, pos)

# --- scband reference (transcript-rebuilt; emitter-appended) ---
"""Pipeline reference for scband-positional-embedding-11647951307442 (READ-ONLY COPY).

The authoritative reference and input builder live on the scoring server;
editing this copy changes nothing except your own understanding.
"""

import jax, jax.numpy as jnp
import numpy as np


def setup_inputs(seed: int = 0) -> dict:
    key = jax.random.key(seed)
    k1, k2, k3 = jax.random.split(key, 3)
    x = jax.random.normal(k1, (4096, 64, 128), dtype=jnp.float32)
    # learned parameters: nn.Embedding(8, embedding_dim // 2) each
    rank_table = jax.random.normal(k2, (8, 64), dtype=jnp.float32)
    file_table = jax.random.normal(k3, (8, 64), dtype=jnp.float32)
    return {"x": x, "rank_table": rank_table, "file_table": file_table}


def reference(x, rank_table, file_table):
    # ranks = repeat_interleave(arange(8), 8) -> [0,0,...,0,1,1,...,7]
    ranks = jnp.repeat(jnp.arange(8), 8)
    # files = tile(arange(8), (8,)) -> [0,1,...,7,0,1,...,7]
    files = jnp.tile(jnp.arange(8), 8)
    rank_emb = jnp.take(rank_table, ranks, axis=0)  # [64, 64]
    file_emb = jnp.take(file_table, files, axis=0)  # [64, 64]
    pos_emb = jnp.concatenate([rank_emb, file_emb], axis=-1)  # [64, 128]
    # broadcast over batch (equivalent to unsqueeze(0).expand(B, -1, -1))
    return x + pos_emb[None, :, :]

if __name__ == "__main__":
    import jax
    _d = setup_inputs()
    print(jax.jit(kernel)(*tuple(_d.values())))

</pallas_src>

<mosaic_0001>
#map = affine_map<(d0, d1) -> (0, 0)>
module attributes {stable_mosaic.version = 14 : i64} {
  func.func @_gather_body(%arg0: i32, %arg1: i32, %arg2: memref<8x64xf32, #tpu.memory_space<hbm>>, %arg3: memref<8x64xf32, #tpu.memory_space<hbm>>, %arg4: memref<64x128xf32, #tpu.memory_space<hbm>>, %arg5: memref<64xi32, #tpu.memory_space<vmem>>, %arg6: memref<64xi32, #tpu.memory_space<vmem>>, %arg7: memref<64x64xf32, #tpu.memory_space<vmem>>, %arg8: memref<64x64xf32, #tpu.memory_space<vmem>>, %arg9: memref<!tpu.dma_semaphore, #tpu.memory_space<semaphore_mem>>) attributes {dimension_semantics = [#tpu.dimension_semantics<core_parallel>, #tpu.dimension_semantics<subcore_parallel>], iteration_bounds = array<i64: 1, 1>, scalar_prefetch = 0 : i64, scratch_operands = 5 : i64, tpu.core_type = #tpu.core_type<sc_vector_subcore>, window_params = [{transform_indices = #map}, {transform_indices = #map}, {transform_indices = #map}]} {
    %mul3A = arith.constant 2 : i32
    %mul3A_0 = arith.muli %arg1, %mul3A : i32
    %add3A = arith.addi %mul3A_0, %arg0 : i32
    %eq3A = arith.constant 0 : i32
    %eq3A_1 = arith.cmpi eq, %add3A, %eq3A : i32
    %convert_element_type3A = arith.extui %eq3A_1 : i1 to i32
    %cond3A = arith.constant 0 : i32
    %cond3A_2 = arith.cmpi ne, %convert_element_type3A, %cond3A : i32
    scf.if %cond3A_2 {
      %iota3A = tpu.iota {dimensions = array<i32: 0>} : vector<16xi32>
      %add3A_3 = arith.constant 0 : i32
      %add3A_4 = vector.broadcast %add3A_3 : i32 to vector<16xi32>
      %add3A_5 = arith.addi %iota3A, %add3A_4 : vector<16xi32>
      %shift_right_arithmetic3A = arith.constant 3 : i32
      %shift_right_arithmetic3A_6 = vector.broadcast %shift_right_arithmetic3A : i32 to vector<16xi32>
      %shift_right_arithmetic3A_7 = arith.shrsi %add3A_5, %shift_right_arithmetic3A_6 : vector<16xi32>
      %swap3A = arith.constant 0 : index
      %swap3A_8 = tpu.vector_load %arg5[%swap3A] {strides = array<i32>} : memref<64xi32, #tpu.memory_space<vmem>>, vector<16xi32>,
      %swap3A_9 = vector.shape_cast %swap3A_8 : vector<16xi32> to vector<16xi32>
      %swap3A_10 = vector.shape_cast %shift_right_arithmetic3A_7 : vector<16xi32> to vector<16xi32>
      tpu.vector_store %arg5[%swap3A], %swap3A_10 {strides = array<i32>} : memref<64xi32, #tpu.memory_space<vmem>>, vector<16xi32>,
      %and3A = arith.constant 7 : i32
      %and3A_11 = vector.broadcast %and3A : i32 to vector<16xi32>
      %and3A_12 = arith.andi %add3A_5, %and3A_11 : vector<16xi32>
      %swap3A_13 = arith.constant 0 : index
      %swap3A_14 = tpu.vector_load %arg6[%swap3A_13] {strides = array<i32>} : memref<64xi32, #tpu.memory_space<vmem>>, vector<16xi32>,
      %swap3A_15 = vector.shape_cast %swap3A_14 : vector<16xi32> to vector<16xi32>
      %swap3A_16 = vector.shape_cast %and3A_12 : vector<16xi32> to vector<16xi32>
      tpu.vector_store %arg6[%swap3A_13], %swap3A_16 {strides = array<i32>} : memref<64xi32, #tpu.memory_space<vmem>>, vector<16xi32>,
      %add3A_17 = arith.constant 16 : i32
      %add3A_18 = vector.broadcast %add3A_17 : i32 to vector<16xi32>
      %add3A_19 = arith.addi %iota3A, %add3A_18 : vector<16xi32>
      %shift_right_arithmetic3A_20 = arith.constant 3 : i32
      %shift_right_arithmetic3A_21 = vector.broadcast %shift_right_arithmetic3A_20 : i32 to vector<16xi32>
      %shift_right_arithmetic3A_22 = arith.shrsi %add3A_19, %shift_right_arithmetic3A_21 : vector<16xi32>
      %swap3A_23 = arith.constant 16 : index
      %swap3A_24 = tpu.vector_load %arg5[%swap3A_23] {strides = array<i32>} : memref<64xi32, #tpu.memory_space<vmem>>, vector<16xi32>,
      %swap3A_25 = vector.shape_cast %swap3A_24 : vector<16xi32> to vector<16xi32>
      %swap3A_26 = vector.shape_cast %shift_right_arithmetic3A_22 : vector<16xi32> to vector<16xi32>
      tpu.vector_store %arg5[%swap3A_23], %swap3A_26 {strides = array<i32>} : memref<64xi32, #tpu.memory_space<vmem>>, vector<16xi32>,
      %and3A_27 = arith.constant 7 : i32
      %and3A_28 = vector.broadcast %and3A_27 : i32 to vector<16xi32>
      %and3A_29 = arith.andi %add3A_19, %and3A_28 : vector<16xi32>
      %swap3A_30 = arith.constant 16 : index
      %swap3A_31 = tpu.vector_load %arg6[%swap3A_30] {strides = array<i32>} : memref<64xi32, #tpu.memory_space<vmem>>, vector<16xi32>,
      %swap3A_32 = vector.shape_cast %swap3A_31 : vector<16xi32> to vector<16xi32>
      %swap3A_33 = vector.shape_cast %and3A_29 : vector<16xi32> to vector<16xi32>
      tpu.vector_store %arg6[%swap3A_30], %swap3A_33 {strides = array<i32>} : memref<64xi32, #tpu.memory_space<vmem>>, vector<16xi32>,
      %add3A_34 = arith.constant 32 : i32
      %add3A_35 = vector.broadcast %add3A_34 : i32 to vector<16xi32>
      %add3A_36 = arith.addi %iota3A, %add3A_35 : vector<16xi32>
      %shift_right_arithmetic3A_37 = arith.constant 3 : i32
      %shift_right_arithmetic3A_38 = vector.broadcast %shift_right_arithmetic3A_37 : i32 to vector<16xi32>
      %shift_right_arithmetic3A_39 = arith.shrsi %add3A_36, %shift_right_arithmetic3A_38 : vector<16xi32>
      %swap3A_40 = arith.constant 32 : index
      %swap3A_41 = tpu.vector_load %arg5[%swap3A_40] {strides = array<i32>} : memref<64xi32, #tpu.memory_space<vmem>>, vector<16xi32>,
      %swap3A_42 = vector.shape_cast %swap3A_41 : vector<16xi32> to vector<16xi32>
      %swap3A_43 = vector.shape_cast %shift_right_arithmetic3A_39 : vector<16xi32> to vector<16xi32>
      tpu.vector_store %arg5[%swap3A_40], %swap3A_43 {strides = array<i32>} : memref<64xi32, #tpu.memory_space<vmem>>, vector<16xi32>,
      %and3A_44 = arith.constant 7 : i32
      %and3A_45 = vector.broadcast %and3A_44 : i32 to vector<16xi32>
      %and3A_46 = arith.andi %add3A_36, %and3A_45 : vector<16xi32>
      %swap3A_47 = arith.constant 32 : index
      %swap3A_48 = tpu.vector_load %arg6[%swap3A_47] {strides = array<i32>} : memref<64xi32, #tpu.memory_space<vmem>>, vector<16xi32>,
      %swap3A_49 = vector.shape_cast %swap3A_48 : vector<16xi32> to vector<16xi32>
      %swap3A_50 = vector.shape_cast %and3A_46 : vector<16xi32> to vector<16xi32>
      tpu.vector_store %arg6[%swap3A_47], %swap3A_50 {strides = array<i32>} : memref<64xi32, #tpu.memory_space<vmem>>, vector<16xi32>,
      %add3A_51 = arith.constant 48 : i32
      %add3A_52 = vector.broadcast %add3A_51 : i32 to vector<16xi32>
      %add3A_53 = arith.addi %iota3A, %add3A_52 : vector<16xi32>
      %shift_right_arithmetic3A_54 = arith.constant 3 : i32
      %shift_right_arithmetic3A_55 = vector.broadcast %shift_right_arithmetic3A_54 : i32 to vector<16xi32>
      %shift_right_arithmetic3A_56 = arith.shrsi %add3A_53, %shift_right_arithmetic3A_55 : vector<16xi32>
      %swap3A_57 = arith.constant 48 : index
      %swap3A_58 = tpu.vector_load %arg5[%swap3A_57] {strides = array<i32>} : memref<64xi32, #tpu.memory_space<vmem>>, vector<16xi32>,
      %swap3A_59 = vector.shape_cast %swap3A_58 : vector<16xi32> to vector<16xi32>
      %swap3A_60 = vector.shape_cast %shift_right_arithmetic3A_56 : vector<16xi32> to vector<16xi32>
      tpu.vector_store %arg5[%swap3A_57], %swap3A_60 {strides = array<i32>} : memref<64xi32, #tpu.memory_space<vmem>>, vector<16xi32>,
      %and3A_61 = arith.constant 7 : i32
      %and3A_62 = vector.broadcast %and3A_61 : i32 to vector<16xi32>
      %and3A_63 = arith.andi %add3A_53, %and3A_62 : vector<16xi32>
      %swap3A_64 = arith.constant 48 : index
      %swap3A_65 = tpu.vector_load %arg6[%swap3A_64] {strides = array<i32>} : memref<64xi32, #tpu.memory_space<vmem>>, vector<16xi32>,
      %swap3A_66 = vector.shape_cast %swap3A_65 : vector<16xi32> to vector<16xi32>
      %swap3A_67 = vector.shape_cast %and3A_63 : vector<16xi32> to vector<16xi32>
      tpu.vector_store %arg6[%swap3A_64], %swap3A_67 {strides = array<i32>} : memref<64xi32, #tpu.memory_space<vmem>>, vector<16xi32>,
      %dma_start3A = arith.constant 0 : i32
      %dma_start3A_68 = arith.constant 0 : i32
      %dma_start3A_69 = tpu.memref_slice %arg2[%dma_start3A, %dma_start3A_68] : memref<8x64xf32, #tpu.memory_space<hbm>> -> memref<8x64xf32, #tpu.memory_space<hbm>>
      tpu.enqueue_indirect_dma source(%dma_start3A_69 : memref<8x64xf32, #tpu.memory_space<hbm>>) target(%arg7 : memref<64x64xf32, #tpu.memory_space<vmem>>) offsets(%arg5 : memref<64xi32, #tpu.memory_space<vmem>>) semaphore(%arg9 : memref<!tpu.dma_semaphore, #tpu.memory_space<semaphore_mem>>)
      %dma_start3A_70 = arith.constant 0 : i32
      %dma_start3A_71 = arith.constant 0 : i32
      %dma_start3A_72 = tpu.memref_slice %arg3[%dma_start3A_70, %dma_start3A_71] : memref<8x64xf32, #tpu.memory_space<hbm>> -> memref<8x64xf32, #tpu.memory_space<hbm>>
      tpu.enqueue_indirect_dma source(%dma_start3A_72 : memref<8x64xf32, #tpu.memory_space<hbm>>) target(%arg8 : memref<64x64xf32, #tpu.memory_space<vmem>>) offsets(%arg6 : memref<64xi32, #tpu.memory_space<vmem>>) semaphore(%arg9 : memref<!tpu.dma_semaphore, #tpu.memory_space<semaphore_mem>>)
      %dma_wait3A = arith.constant 0 : i32
      %dma_wait3A_73 = arith.constant 0 : i32
      %dma_wait3A_74 = tpu.memref_slice %arg2[%dma_wait3A, %dma_wait3A_73] : memref<8x64xf32, #tpu.memory_space<hbm>> -> memref<8x64xf32, #tpu.memory_space<hbm>>
      tpu.wait_indirect_dma semaphore(%arg9 : memref<!tpu.dma_semaphore, #tpu.memory_space<semaphore_mem>>) src(%dma_wait3A_74 : memref<8x64xf32, #tpu.memory_space<hbm>>) dst(%arg7 : memref<64x64xf32, #tpu.memory_space<vmem>>)
      %dma_wait3A_75 = arith.constant 0 : i32
      %dma_wait3A_76 = arith.constant 0 : i32
      %dma_wait3A_77 = tpu.memref_slice %arg3[%dma_wait3A_75, %dma_wait3A_76] : memref<8x64xf32, #tpu.memory_space<hbm>> -> memref<8x64xf32, #tpu.memory_space<hbm>>
      tpu.wait_indirect_dma semaphore(%arg9 : memref<!tpu.dma_semaphore, #tpu.memory_space<semaphore_mem>>) src(%dma_wait3A_77 : memref<8x64xf32, #tpu.memory_space<hbm>>) dst(%arg8 : memref<64x64xf32, #tpu.memory_space<vmem>>)
      "tpu.region"() ({
        %run_scoped3A = tpu.sem_alloc : memref<!tpu.dma_semaphore, #tpu.memory_space<semaphore_mem>>
        %dma_start3A_78 = arith.constant 0 : i32
        %dma_start3A_79 = arith.constant 0 : i32
        %dma_start3A_80 = tpu.memref_slice %arg4[%dma_start3A_78, %dma_start3A_79] : memref<64x128xf32, #tpu.memory_space<hbm>> -> memref<64x64xf32, #tpu.memory_space<hbm>>
        %dma_start3A_81 = arith.constant 0 : i32
        %dma_start3A_82 = arith.constant 0 : i32
        %dma_start3A_83 = tpu.memref_slice %arg4[%dma_start3A_81, %dma_start3A_82] : memref<64x128xf32, #tpu.memory_space<hbm>> -> memref<64x64xf32, #tpu.memory_space<hbm>>
        tpu.enqueue_dma source(%arg7 : memref<64x64xf32, #tpu.memory_space<vmem>>) target(%dma_start3A_83 : memref<64x64xf32, #tpu.memory_space<hbm>>) target_semaphore(%run_scoped3A : memref<!tpu.dma_semaphore, #tpu.memory_space<semaphore_mem>>)
        %dma_wait3A_84 = arith.constant 0 : i32
        %dma_wait3A_85 = arith.constant 0 : i32
        %dma_wait3A_86 = tpu.memref_slice %arg4[%dma_wait3A_84, %dma_wait3A_85] : memref<64x128xf32, #tpu.memory_space<hbm>> -> memref<64x64xf32, #tpu.memory_space<hbm>>
        %dma_wait3A_87 = arith.constant 0 : i32
        %dma_wait3A_88 = arith.constant 0 : i32
        %dma_wait3A_89 = tpu.memref_slice %arg4[%dma_wait3A_87, %dma_wait3A_88] : memref<64x128xf32, #tpu.memory_space<hbm>> -> memref<64x64xf32, #tpu.memory_space<hbm>>
        tpu.wait_dma2 semaphore(%run_scoped3A : memref<!tpu.dma_semaphore, #tpu.memory_space<semaphore_mem>>) src(%arg7 : memref<64x64xf32, #tpu.memory_space<vmem>>) dst(%dma_wait3A_89 : memref<64x64xf32, #tpu.memory_space<hbm>>)
        tpu.yield
      }) : () -> ()
      "tpu.region"() ({
        %run_scoped3A = tpu.sem_alloc : memref<!tpu.dma_semaphore, #tpu.memory_space<semaphore_mem>>
        %dma_start3A_78 = arith.constant 0 : i32
        %dma_start3A_79 = arith.constant 64 : i32
        %dma_start3A_80 = tpu.memref_slice %arg4[%dma_start3A_78, %dma_start3A_79] : memref<64x128xf32, #tpu.memory_space<hbm>> -> memref<64x64xf32, #tpu.memory_space<hbm>>
        %dma_start3A_81 = arith.constant 0 : i32
        %dma_start3A_82 = arith.constant 64 : i32
        %dma_start3A_83 = tpu.memref_slice %arg4[%dma_start3A_81, %dma_start3A_82] : memref<64x128xf32, #tpu.memory_space<hbm>> -> memref<64x64xf32, #tpu.memory_space<hbm>>
        tpu.enqueue_dma source(%arg8 : memref<64x64xf32, #tpu.memory_space<vmem>>) target(%dma_start3A_83 : memref<64x64xf32, #tpu.memory_space<hbm>>) target_semaphore(%run_scoped3A : memref<!tpu.dma_semaphore, #tpu.memory_space<semaphore_mem>>)
        %dma_wait3A_84 = arith.constant 0 : i32
        %dma_wait3A_85 = arith.constant 64 : i32
        %dma_wait3A_86 = tpu.memref_slice %arg4[%dma_wait3A_84, %dma_wait3A_85] : memref<64x128xf32, #tpu.memory_space<hbm>> -> memref<64x64xf32, #tpu.memory_space<hbm>>
        %dma_wait3A_87 = arith.constant 0 : i32
        %dma_wait3A_88 = arith.constant 64 : i32
        %dma_wait3A_89 = tpu.memref_slice %arg4[%dma_wait3A_87, %dma_wait3A_88] : memref<64x128xf32, #tpu.memory_space<hbm>> -> memref<64x64xf32, #tpu.memory_space<hbm>>
        tpu.wait_dma2 semaphore(%run_scoped3A : memref<!tpu.dma_semaphore, #tpu.memory_space<semaphore_mem>>) src(%arg8 : memref<64x64xf32, #tpu.memory_space<vmem>>) dst(%dma_wait3A_89 : memref<64x64xf32, #tpu.memory_space<hbm>>)
        tpu.yield
      }) : () -> ()
    } else {
    }
    return
  }
}

module attributes {stable_mosaic.version = 14 : i64} {
  func.func @_add_body(%arg0: i32, %arg1: memref<256x64x128xf32, #tpu.memory_space<vmem>>, %arg2: memref<64x128xf32, #tpu.memory_space<vmem>>, %arg3: memref<256x64x128xf32, #tpu.memory_space<vmem>>) attributes {dimension_semantics = [#tpu.dimension_semantics<parallel>], iteration_bounds = array<i64: 16>, scalar_prefetch = 0 : i64, scratch_operands = 0 : i64, tpu.core_type = #tpu.core_type<tc>, window_params = [{transform_indices = @transform_0, window_bounds = array<i64: 256, 64, 128>}, {pipeline_mode = #tpu.pipeline_mode<synchronous>, transform_indices = @transform_1, window_bounds = array<i64: 64, 128>}, {transform_indices = @transform_2, window_bounds = array<i64: 256, 64, 128>}]} {
    %get3A = arith.constant 0 : index
    %get3A_0 = arith.constant 0 : index
    %get3A_1 = arith.constant 0 : index
    %get3A_2 = vector.load %arg1[%get3A, %get3A_0, %get3A_1] : memref<256x64x128xf32, #tpu.memory_space<vmem>>, vector<256x64x128xf32>
    %get3A_3 = arith.constant 0 : index
    %get3A_4 = arith.constant 0 : index
    %get3A_5 = vector.load %arg2[%get3A_3, %get3A_4] : memref<64x128xf32, #tpu.memory_space<vmem>>, vector<64x128xf32>
    %broadcast_in_dim3A = vector.shape_cast %get3A_5 : vector<64x128xf32> to vector<1x64x128xf32>
    %add3A = vector.broadcast %broadcast_in_dim3A : vector<1x64x128xf32> to vector<256x64x128xf32>
    %add3A_6 = arith.addf %get3A_2, %add3A : vector<256x64x128xf32>
    %swap3A = arith.constant 0 : index
    %swap3A_7 = arith.constant 0 : index
    %swap3A_8 = arith.constant 0 : index
    %swap3A_9 = vector.load %arg3[%swap3A, %swap3A_7, %swap3A_8] : memref<256x64x128xf32, #tpu.memory_space<vmem>>, vector<256x64x128xf32>
    tpu.vector_store %arg3[%swap3A, %swap3A_7, %swap3A_8], %add3A_6 {strides = array<i32>} : memref<256x64x128xf32, #tpu.memory_space<vmem>>, vector<256x64x128xf32>,
    return
  }
  func.func @transform_0(%arg0: i32) -> (i32, i32, i32) {
    %c0_i32 = arith.constant 0 : i32
    %c0_i32_0 = arith.constant 0 : i32
    %c0_i32_1 = arith.constant 0 : i32
    return %arg0, %c0_i32, %c0_i32_0 : i32, i32, i32
  }
  func.func @transform_1(%arg0: i32) -> (i32, i32) {
    %c0_i32 = arith.constant 0 : i32
    %c0_i32_0 = arith.constant 0 : i32
    %c0_i32_1 = arith.constant 0 : i32
    return %c0_i32, %c0_i32_0 : i32, i32
  }
  func.func @transform_2(%arg0: i32) -> (i32, i32, i32) {
    %c0_i32 = arith.constant 0 : i32
    %c0_i32_0 = arith.constant 0 : i32
    %c0_i32_1 = arith.constant 0 : i32
    return %arg0, %c0_i32, %c0_i32_0 : i32, i32, i32
  }
}

</mosaic_0001>

<sc_bundles>
// kernel: kernel.4.cloned.1.call-start
scs
__scs_entry_jumppad:
0x0: {  	(pc) =	sbr.rel $0x88, $3  }
0x1: {  	(tag) =	ssettag $0x0;
	lr =	simm.s32 $0x1  }
0x2: {  	[smem:$0x3F9E] =	sst lr;
	_ =	strace $0xD0000000  }
0x3: {  	_ = 	snop  }
0x4: {  	_ = 	snop  }
0x5: {  	_ = 	snop  }
0x6: {  	_ = 	snop  }
0x7: {  	_ = 	snop  }
__scs_overlays_trampoline_lowered:
0x8: {  	[smem:$0x3FAD] =	sst s0  }
0x9: {  	[smem:$0x3FAE] =	sst s1  }
0xa: {  	[smem:$0x3FAF] =	sst s2  }
0xb: {  	[smem:$0x3FB0] =	sst s3  }
0xc: {  	[smem:$0x3FB1] =	sst s4  }
0xd: {  	[smem:$0x3FB2] =	sst s5  }
0xe: {  	[smem:$0x3FB3] =	sst s6  }
0xf: {  	[smem:$0x3FB4] =	sst s7  }
0x10: {  	[smem:$0x3FB5] =	sst s8  }
0x11: {  	[smem:$0x3FB6] =	sst s9;
	s0 =	simm.s32 @!p0 $0x0  }
0x12: {  	s1 =	sld [smem:$0x3F9C];
	s0 =	simm.s32 @p0 $0x1  }
0x13: {  	[smem:$0x3FB7] =	sst s0;
	s0 =	simm.s32 @!p1 $0x0  }
0x14: {  	s2 =	sld [smem:$0x3F9B];
	s0 =	simm.s32 @p1 $0x1  }
0x15: {  	[smem:$0x3FB8] =	sst s0;
	s0 =	simm.s32 @!p2 $0x0  }
0x16: {  	s3 =	sld [smem:$0x3FDB];
	s0 =	simm.s32 @p2 $0x1  }
0x17: {  	s4 =	simm.s32 $0x1BF5;
	[smem:$0x3FBA] =	sst s0  }
0x18: {  	s0 =	sld [smem:$0x3F9D];
	_ =	swait.ge [sflag:s4], $0x0  }
0x19: {  	s7 =	sld [smem:$0x3F9E]  }
0x1a: {  	s8 =	sadd.s32 $0xFFFFE003, lr  }
0x1b: {  	s9 =	sadd.s32 $0xFFFFFEF7, lr;
	s5 =	simm.s32 $0xFFFFFFFF;
	p2 =	slt.u32 s8, $0xFFFFF086  }
0x1c: {  	p1 =	slt.u32 s9, $0xF7A;
	s5 =	simm.s32 @!p2 $0x0  }
0x1d: {  	s5 =	simm.s32 @p1 $0x1;
	p0 =	seq.s32 s7, s2  }
0x1e: {  	s7 =	smul.u32 @!p0 $0xF7A, s2;
	p2 =	seq.s32 @!p0 s5, $0x0  }
0x1f: {  	s9 =	smul.u32 $0xF7A, s1;
	s8 =	simm.s32 @!p0 $0x1BF5;
	p2 =	por !p2, p0  }
0x20: {  	[sflag:s8] =	ssyncset.s32 @!p0 $0xFFFFF086;
	s6 =	sadd.s32 @!p0 s3, s7;
	s7 =	simm.s32 @!p0 $0x108  }
0x21: {  	s3 =	sadd.s32 s3, s9;
	s6 =	sadd.s32 @!p0 $0x88, s6;
	s7 =	simm.s32 @p2 $0x1082  }
0x22: {  	[simem:s7], [sflag:s8] =	dma.local @!p0 [hbm:s6], $0xF7A  }
0x23: {  	s9 =	sor.u32 $0xD0000000, s2;
	s6 =	simm.s32 $0x108;
	_ =	swait.ge @!p0 [sflag:s8], $0x0  }
0x24: {  	s3 =	sadd.s32 $0x88, s3;
	s6 =	simm.s32 @!p1 $0x1082;
	[sflag:s4] =	ssyncset.s32 $0xFFFFF086  }
0x25: {  	[simem:s6], [sflag:s4] =	dma.local [hbm:s3], $0xF7A  }
0x26: {  	[smem:$0x3F9E] =	sst s1;
	(tag) =	ssettag s2;
	_ =	strace s9  }
0x27: {  	s1 =	sld [smem:$0x3FAE]  }
0x28: {  	s2 =	sld [smem:$0x3FAF]  }
0x29: {  	s4 =	sld [smem:$0x3FB1]  }
0x2a: {  	p0 =	seq.s32 s5, $0x0;
	s5 =	sld [smem:$0x3FB2]  }
0x2b: {  	s6 =	sld [smem:$0x3FB3]  }
0x2c: {  	s7 =	sld [smem:$0x3FB4]  }
0x2d: {  	s3 =	simm.s32 $0x108;
	s8 =	sld [smem:$0x3FB5]  }
0x2e: {  	s3 =	simm.s32 @!p0 $0x1082;
	s9 =	sld [smem:$0x3FB6]  }
0x2f: {  	lr =	sadd.s32 s0, s3;
	s0 =	sld [smem:$0x3FAD]  }
0x30: {  	s3 =	sld [smem:$0x3FB0]  }
0x31: {  	[smem:$0x3FB9] =	sst s10  }
0x32: {  	s10 =	sld [smem:$0x3FB7];
	_ =	sdelay $0x3  }
0x33: {  	p0 =	seq.s32 s10, $0x1;
	s10 =	sld [smem:$0x3FB9];
	_ =	sdelay $0x3  }
0x34: {  	[smem:$0x3FB9] =	sst s10  }
0x35: {  	s10 =	sld [smem:$0x3FB8];
	_ =	sdelay $0x3  }
0x36: {  	p1 =	seq.s32 s10, $0x1;
	s10 =	sld [smem:$0x3FB9];
	_ =	sdelay $0x3  }
0x37: {  	[smem:$0x3FB9] =	sst s10  }
0x38: {  	s10 =	sld [smem:$0x3FBA]  }
0x39: {  	_ = 	snop;
	(pc) =	sbr.ind lr, $3  }
0x3a: {  	_ = 	snop  }
0x3b: {  	_ = 	snop  }
0x3c: {  	p2 =	seq.s32 s10, $0x1;
	s10 =	sld [smem:$0x3FB9]  }
0x3d: {  	_ =	shalt  }
0x3e: {  	_ =	shalt  }
0x3f: {  	_ =	shalt  }
0x40: {  	_ =	shalt  }
0x41: {  	_ =	shalt  }
0x42: {  	_ =	shalt  }
0x43: {  	_ =	shalt  }
0x44: {  	_ =	shalt  }
0x45: {  	_ =	shalt  }
0x46: {  	_ =	shalt  }
0x47: {  	_ =	shalt  }
0x48: {  	_ =	shalt  }
0x49: {  	_ =	shalt  }
0x4a: {  	_ =	shalt  }
0x4b: {  	_ =	shalt  }
0x4c: {  	_ =	shalt  }
0x4d: {  	_ =	shalt  }
0x4e: {  	_ =	shalt  }
0x4f: {  	_ =	shalt  }
0x50: {  	_ =	shalt  }
0x51: {  	_ =	shalt  }
0x52: {  	_ =	shalt  }
0x53: {  	_ =	shalt  }
0x54: {  	_ =	shalt  }
0x55: {  	_ =	shalt  }
0x56: {  	_ =	shalt  }
0x57: {  	_ =	shalt  }
0x58: {  	_ =	shalt  }
0x59: {  	_ =	shalt  }
0x5a: {  	_ =	shalt  }
0x5b: {  	_ =	shalt  }
0x5c: {  	_ =	shalt  }
0x5d: {  	_ =	shalt  }
0x5e: {  	_ =	shalt  }
0x5f: {  	_ =	shalt  }
0x60: {  	_ =	shalt  }
0x61: {  	_ =	shalt  }
0x62: {  	_ =	shalt  }
0x63: {  	_ =	shalt  }
0x64: {  	_ =	shalt  }
0x65: {  	_ =	shalt  }
0x66: {  	_ =	shalt  }
0x67: {  	_ =	shalt  }
0x68: {  	_ =	shalt  }
0x69: {  	_ =	shalt  }
0x6a: {  	_ =	shalt  }
0x6b: {  	_ =	shalt  }
0x6c: {  	_ =	shalt  }
0x6d: {  	_ =	shalt  }
0x6e: {  	_ =	shalt  }
0x6f: {  	_ =	shalt  }
0x70: {  	_ =	shalt  }
0x71: {  	_ =	shalt  }
0x72: {  	_ =	shalt  }
0x73: {  	_ =	shalt  }
0x74: {  	_ =	shalt  }
0x75: {  	_ =	shalt  }
0x76: {  	_ =	shalt  }
0x77: {  	_ =	shalt  }
0x78: {  	_ =	shalt  }
0x79: {  	_ =	shalt  }
0x7a: {  	_ =	shalt  }
0x7b: {  	_ =	shalt  }
0x7c: {  	_ =	shalt  }
0x7d: {  	_ =	shalt  }
0x7e: {  	_ =	shalt  }
0x7f: {  	_ =	shalt  }
0x80: {  	_ =	shalt  }
0x81: {  	_ =	shalt  }
0x82: {  	_ =	shalt  }
0x83: {  	_ =	shalt  }
0x84: {  	_ =	shalt  }
0x85: {  	_ =	shalt  }
0x86: {  	_ =	shalt  }
0x87: {  	_ =	shalt  }
.Lfunc_end0:
.L_simem_size_0:
called_computation_lowered:
.L_overlay_start_0:
0x88: {  	s0 =	sld [smem:$0x3FD9]  }
0x89: {  	s1 =	sld [smem:$0x3FFE];
	_ =	sdelay $0x3  }
0x8a: {  	s0 =	sadd.s32 s1, s0  }
0x8b: {  	[smem:$0x3FC5] =	sst s0  }
0x8c: {  	_ = 	snop  }
0x8d: {  	s0 =	sld [smem:$0x3FD0];
	(tm) =	ssettm $0x1  }
0x8e: {  	s16 =	sld [smem:$0x3FFB];
	_ =	sdelay $0x3  }
0x8f: {  	_ =	strace s16  }
0x90: {  	s1 =	sld [smem:$0x3FFC];
	_ =	sdelay $0x3  }
0x91: {  	_ =	strace s1  }
0x92: {  	s1 =	sld [smem:$0x3FFD];
	_ =	sdelay $0x3  }
0x93: {  	_ =	strace s1  }
0x94: {  	_ =	strace $0x8FFFFFFF  }
0x95: {  	s17 =	sld [smem:$0x3FDB];
	_ =	sdelay $0x1  }
0x96: {  	s2 =	simm.s32 $_scs_section_size  }
0x97: {  	s3 =	simm.s32 $_size__tile_overlayer_lowered;
	s4 =	simm.s32 $_tile_overlayer_lowered  }
0x98: {  	s20 =	simm.s32 $0x1BFF;
	s19 =	sshll.u32 s4, $0x1;
	s1 =	sadd.s32 s2, s17  }
0x99: {  	s5 =	simm.s32 $0x0;
	s18 =	sshll.u32 s3, $0x1;
	s3 =	sadd.s32 s19, s1  }
0x9a: {  	[timem:s5], [sflag:s20] =	dma.local [hbm:s3], s18  }
0x9b: {  	_ =	swait.ge [sflag:s20], s18  }
0x9c: {  	s2 =	ssub.s32 $0x0, s18;
	[sflag:s20] =	ssyncset.done $0x0  }
0x9d: {  	[sflag:s20] =	ssyncadd.s32 s2;
	_ =	sdelay $0x1  }
0x9e: {  	s21 =	simm.s32 $0x1B8B  }
0x9f: {  	_ =	swait.ge [sflag:s21], $0x1  }
0xa0: {  	[sflag:s21] =	ssyncset.done $0x0  }
0xa1: {  	s23 =	simm.s32 $0x1B8E;
	s22 =	sld [smem:$0x3FFE];
	[sflag:s21] =	ssyncadd.s32 $0xFFFFFFFF  }
0xa2: {  	s24 =	simm.s32 $execute0_lowered;
	[smem:$0x3FD2] =	sst s23  }
0xa3: {  	s3 =	sshll.u32 s24, $0x1;
	_ =	strace $0x80000046;
	[dreg:$0x1] =	wrdreg $0xFFFFFFFF  }
0xa4: {  	s25 =	simm.s32 $_size_execute0_lowered;
	s1 =	sadd.s32 s1, s3;
	[dreg:$0x0] =	wrdreg $0x0  }
0xa5: {  	s3 =	sshll.u32 s25, $0x1;
	[dreg:$0x2] =	wrdreg s1  }
0xa6: {  	[dreg:$0x3] =	wrdreg s3  }
0xa7: {  	[dreg:$0x4] =	wrdreg $0xC0  }
0xa8: {  	_ =	task [dreg:s5], $0x5FFFF  }
0xa9: {  	[dreg:$0x1] =	wrdreg $0xFFFFFFFF  }
0xaa: {  	[dreg:$0x0] =	wrdreg $0x60  }
0xab: {  	[dreg:$0x2] =	wrdreg s22  }
0xac: {  	[dreg:$0x3] =	wrdreg s0  }
0xad: {  	[dreg:$0x4] =	wrdreg $0x9  }
0xae: {  	_ =	task.clear_ibuf [dreg:s5], $0x5FFFF;
	_ =	strace $0x90000046  }
0xaf: {  	s26 =	simm.s32 $0x9;
	_ =	strace $0x80000048  }
0xb0: {  	_ =	swait.ge [sflag:s26], $0x1  }
0xb1: {  	[sflag:s26] =	ssyncadd.s32 $0xFFFFFFFF  }
0xb2: {  	_ =	strace $0x90000048  }
0xb3: {  	_ =	sfence  }
0xb4: {  	s28 =	sld [smem:$0x0];
	_ =	sdelay $0x1  }
0xb5: {  	s29 =	srdreg.scid  }
0xb6: {  	s30 =	sshll.u32 s29, $0xD;
	s31 =	sshrl.u32 s29, $0x2  }
0xb7: {  	s2 =	sand.u32 $0x4000, s30;
	s1 =	sand.u32 $0x1, s29;
	s0 =	sadd.s32 s31, s28  }
0xb8: {  	s1 =	sor.u32 s2, s1;
	s0 =	sshll.u32 s0, $0x11  }
0xb9: {  	s0 =	sor.u32 s0, s1  }
0xba: {  	s0 =	sadd.s32 $0x8F2B, s0  }
0xbb: {  	[sflag:s0] =	ssyncadd.remote.s32 $0x1  }
0xbc: {  	_ =	sfence.sel $0xFFFF  }
0xbd: {  	[dreg:$0x0] =	wrdreg $0xFFFFFFFF;
	(pc) =	sbr.abs _section_cstart, $3  }
0xbe: {  	[dreg:$0x1] =	wrdreg $0xFFFFFFFF  }
0xbf: {  	_ =	task.clear_ibuf [dreg:s5], $0x2FFFF;
	_ =	strace $0x9FFFFFFF  }
0xc0: {  	(tm) =	ssettm $0x7FFFFFFF  }
0xc1: {  	_ =	shalt  }
tec
execute0_lowered:
.L_overlay_start_1:
0x0: {  	(tag) =	ssettag $0x1  }
0x1: {  	s2 =	stileid.u32  }
0x2: {  	s0 =	rddreg [dreg:$0x0];
	p0 =	sne.s32 s2, $0x0  }
0x3: {  	s1 =	rddreg [dreg:$0x1];
	s4 =	simm.s32 $0x0;
	v0 =	vlaneseq.u32 @!p0  }
0x4: {  	[smem:$0x7FF] =	sst s4;
	v1 =	vshrl.u32 @!p0 v0, $0x3  }
0x5: {  	s3 =	rddreg [dreg:$0x2];
	_ =	strace $0x80000047;
	v0 =	vand.u32 @!p0 $0x7, v0;
	[tilespmem:$0x0] =	vst @!p0 v1  }
0x6: {  	[tilespmem:$0x40] =	vst @!p0 v0  }
0x7: {  	[tilespmem:$0x50] =	vst @!p0 v0  }
0x8: {  	[tilespmem:$0x60] =	vst @!p0 v0  }
0x9: {  	v2 =	vor.u32 @!p0 $0x2, v1;
	[tilespmem:$0x70] =	vst @!p0 v0  }
0xa: {  	[tilespmem:$0x10] =	vst @!p0 v2;
	v2 =	vor.u32 @!p0 $0x4, v1  }
0xb: {  	s2 =	sadd.s32 $0x600, s0;
	v1 =	vor.u32 @!p0 $0x6, v1;
	[tilespmem:$0x20] =	vst @!p0 v2  }
0xc: {  	s4 =	simm.s32 @!p0 $0x40;
	s5 =	simm.s32 @!p0 $0x0;
	s6 =	simm.s32 @!p0 $0x80;
	[tilespmem:$0x30] =	vst @!p0 v1  }
0xd: {  	[tilespmem:s6], [sflag:$0x1] =	stream.indirect.gather @!p0 [hbm4b:s2+s4], $0x40, s5, s4, $0xb8;
	[tilespmem:$0x2080] =	vst v63  }
0xe: {  	s0 =	sadd.s32 $0x800, s0;
	s2 =	simm.s32 @!p0 $0x1080  }
0xf: {  	[tilespmem:s2], [sflag:$0x1] =	stream.indirect.gather @!p0 [hbm4b:s0+s4], $0x40, s4, s4, $0xb8;
	[tilespmem:$0x2080] =	vst v63  }
0x10: {  	s0 =	simm.s32 @!p0 $0x1  }
0x11: {  	_ =	swait.ge @!p0 [sflag:s0], $0x1000  }
0x12: {  	[sflag:s0] =	ssyncset.done @!p0 $0x0  }
0x13: {  	[sflag:s0] =	ssyncadd.s32 @!p0 $0xFFFFF000  }
0x14: {  	_ =	swait.ge @!p0 [sflag:s0], $0x1000  }
0x15: {  	[sflag:s0] =	ssyncset.done @!p0 $0x0  }
0x16: {  	[sflag:s0] =	ssyncadd.s32 @!p0 $0xFFFFF000;
	s0 =	simm.s32 @!p0 $0x2  }
0x17: {  	[hbm4b:s1+s4] =	stream.strided.scatter @!p0 [tilespmem:s6], [sflag:$0x2], $0x1000, s6, s4, $0x38;
	[tilespmem:$0x2080] =	vst v63  }
0x18: {  	_ =	swait.ge @!p0 [sflag:s0], $0x1000  }
0x19: {  	[sflag:s0] =	ssyncset.done @!p0 $0x0  }
0x1a: {  	s1 =	sadd.s32 @!p0 $0x8, s1;
	[sflag:s0] =	ssyncadd.s32 @!p0 $0xFFFFF000  }
0x1b: {  	[hbm4b:s1+s4] =	stream.strided.scatter @!p0 [tilespmem:s2], [sflag:$0x2], $0x1000, s6, s4, $0x38;
	[tilespmem:$0x2080] =	vst v63  }
0x1c: {  	_ =	swait.ge @!p0 [sflag:s0], $0x1000  }
0x1d: {  	[sflag:s0] =	ssyncset.done @!p0 $0x0  }
0x1e: {  	[sflag:s0] =	ssyncadd.s32 @!p0 $0xFFFFF000  }
0x1f: {  	_ =	sfence.sel $0x180000  }
0x20: {  	[bflag:$0x0] =	sbarrier.arrive $0xFFFF  }
0x21: {  	_ =	strace $0x90000047  }
0x22: {  	s0 =	sadd.s32 @!p0 $0x100000, s3;
	[bflag:$0x2] =	sbarrier.arrive $0xFFFF  }
0x23: {  	[sflag:s0] =	ssyncadd.tile.s32 @!p0 $0x1;
	_ =	shalt  }
.Lfunc_end2:
_tile_overlayer_lowered:
.L_overlay_start_2:
0x24: {  	(tag) =	ssettag $0x2  }
0x25: {  	s0 =	rddreg [dreg:$0x0];
	s2 =	stileid.u32  }
0x26: {  	s1 =	rddreg [dreg:$0x1];
	p0 =	sne.s32 s2, $0x0  }
0x27: {  	s3 =	rddreg [dreg:$0x2];
	[bflag:$0x3] =	sbarrier.arrive $0xFFFF;
	s2 =	simm.s32 @!p0 $0x1C02  }
0x28: {  	[timem:s3], [sflag:s2] =	dma.local @!p0 [hbm:s0], s1  }
0x29: {  	s0 =	simm.s32 @!p0 $0x2  }
0x2a: {  	_ =	swait.ge @!p0 [sflag:s0], s1  }
0x2b: {  	s1 =	ssub.s32 @!p0 $0x0, s1;
	[sflag:s0] =	ssyncset.done @!p0 $0x0  }
0x2c: {  	[sflag:s0] =	ssyncadd.s32 @!p0 s1  }
0x2d: {  	[bflag:$0x3] =	sbarrier.arrive $0xFFFF  }
0x2e: {  	_ =	shalt  }

</sc_bundles>
